<compile_context>
chip_gen: v7x
topology: tpu7x:2x2x1
jax: 0.10.2.dev20260603
libtpu: 0.0.44.dev20260713+nightly
codegen_flags: <defaults>
</compile_context>

<pallas_src>
import functools

import jax
import jax.numpy as jnp
from jax import lax
from jax.experimental import pallas as pl
from jax.experimental.pallas import tpu as pltpu
from jax.experimental.pallas import tpu_sc as plsc

_N = 10000
_E = 320000
_INC = 128
_OUTC = 128
_KV = 27

_NC = 2
_NS = 16
_NW = _NC * _NS
_C = 128
_CH = 79
_EPW = _C * _CH
_E_PAD = _NW * _EPW
_RPT = 632
_R = _NS * _RPT

_TN = 2000


def _zmm_body(z_ref, w_ref, out_ref):
    out_ref[0] = jnp.dot(z_ref[...], w_ref[0], preferred_element_type=jnp.float32)


def _final_body(p_ref, z_ref, wpt_ref, b_ref, out_ref):
    pt = jnp.dot(z_ref[...], wpt_ref[...], preferred_element_type=jnp.float32)
    out_ref[...] = p_ref[0] + p_ref[1] + pt + b_ref[0]


def _sc_body(zt_hbm, gidx_hbm, dst_hbm, out_hbm, ig, idb, rows, acc, sem):
    c = lax.axis_index("c")
    s = lax.axis_index("s")
    wid = c * _NS + s

    def _zr(i, carry):
        r = i // (_OUTC // 16)
        col = (i % (_OUTC // 16)) * 16
        rows[r, pl.ds(col, 16)] = jnp.zeros((16,), jnp.float32)
        return carry

    lax.fori_loop(0, _C * _OUTC // 16, _zr, 0)
    row0 = s * _RPT
    for t in range(0, _RPT, _C):
        sz = min(_C, _RPT - t)
        pltpu.sync_copy(rows.at[pl.ds(0, sz)], acc.at[pl.ds(row0 + t, sz)])
    plsc.subcore_barrier()

    base = wid * _EPW

    def _step(g, carry):
        off = base + g * _C
        pltpu.sync_copy(gidx_hbm.at[pl.ds(off, _C)], ig)
        pltpu.sync_copy(dst_hbm.at[pl.ds(off, _C)], idb)
        pltpu.async_copy(zt_hbm.at[ig], rows, sem).wait()
        pltpu.sync_copy(rows, acc.at[idb], add=True)
        return carry

    lax.fori_loop(0, _CH, _step, 0)
    plsc.subcore_barrier()
    pltpu.sync_copy(acc.at[pl.ds(row0, _RPT)], out_hbm.at[c, pl.ds(row0, _RPT)])


_sc_scatter = functools.partial(
    pl.kernel,
    out_type=jax.ShapeDtypeStruct((_NC, _R, _OUTC), jnp.float32),
    mesh=plsc.VectorSubcoreMesh(
        core_axis_name="c", subcore_axis_name="s",
        num_cores=_NC, num_subcores=_NS),
    scratch_types=[
        pltpu.VMEM((_C,), jnp.int32),
        pltpu.VMEM((_C,), jnp.int32),
        pltpu.VMEM((_C, _OUTC), jnp.float32),
        pltpu.VMEM_SHARED((_R, _OUTC), jnp.float32),
        pltpu.SemaphoreType.DMA,
    ],
)(_sc_body)


@jax.jit
def kernel(z_F, edge_index, kidx, W, W_pt, b_pt):
    src = edge_index[0]
    dst = edge_index[1]

    Z = pl.pallas_call(
        _zmm_body,
        grid=(_N // _TN, _KV),
        in_specs=[
            pl.BlockSpec((_TN, _INC), lambda n, k: (n, 0)),
            pl.BlockSpec((1, _INC, _OUTC), lambda n, k: (k, 0, 0)),
        ],
        out_specs=pl.BlockSpec((1, _TN, _OUTC), lambda n, k: (k, n, 0)),
        out_shape=jax.ShapeDtypeStruct((_KV, _N, _OUTC), jnp.float32),
    )(z_F, W)
    Zt = Z.reshape(_KV * _N, _OUTC)

    gidx = kidx * _N + src
    pad = _E_PAD - _E
    gidx = jnp.concatenate([gidx, jnp.zeros((pad,), jnp.int32)])
    pad_dst = _N + (jnp.arange(pad, dtype=jnp.int32) % (_R - _N))
    dstp = jnp.concatenate([dst, pad_dst])

    partials = _sc_scatter(Zt, gidx, dstp)

    out = pl.pallas_call(
        _final_body,
        grid=(_N // _TN,),
        in_specs=[
            pl.BlockSpec((_NC, _TN, _OUTC), lambda n: (0, n, 0)),
            pl.BlockSpec((_TN, _INC), lambda n: (n, 0)),
            pl.BlockSpec((_INC, _OUTC), lambda n: (0, 0)),
            pl.BlockSpec((1, _OUTC), lambda n: (0, 0)),
        ],
        out_specs=pl.BlockSpec((_TN, _OUTC), lambda n: (n, 0)),
        out_shape=jax.ShapeDtypeStruct((_N, _OUTC), jnp.float32),
    )(partials, z_F, W_pt, b_pt.reshape(1, _OUTC))
    return out

# --- scband reference (transcript-rebuilt; emitter-appended) ---
"""Pipeline reference for scband-sconv3d-24266565222406 (READ-ONLY COPY).

The authoritative reference and input builder live on the scoring server;
editing this copy changes nothing except your own understanding.
"""

import jax, jax.numpy as jnp
import numpy as np

N = 10000      # number of active voxels (points)
E = 320000     # number of (input, output, kernel-offset) pairs in the kernel map
INC = 128
OUTC = 128
KV = 27        # kernel volume for ks=3, 3D


def setup_inputs(seed: int = 0) -> dict:
    key = jax.random.key(seed)
    k1, k2, k3, k4, k5 = jax.random.split(key, 5)
    # point features of the sparse tensor z (z.F)
    z_F = jax.random.normal(k1, (N, INC), dtype=jnp.float32)
    # precomputed kernel map: edge_index[0]=src voxel, edge_index[1]=dst voxel
    edge_index = jax.random.randint(k2, (2, E), 0, N, dtype=jnp.int32)
    # kernel-offset index in [0, 27) for each kernel-map entry
    kidx = jax.random.randint(k3, (E,), 0, KV, dtype=jnp.int32)
    # sparse conv weights: one [INC, OUTC] matrix per kernel offset (spnn.Conv3d, no bias)
    W = jax.random.normal(k4, (KV, INC, OUTC), dtype=jnp.float32) * (1.0 / np.sqrt(INC * KV))
    # point_transforms: nn.Linear(inc, outc) with xavier_uniform weight, zero bias
    s = float(np.sqrt(6.0 / (INC + OUTC)))
    W_pt = jax.random.uniform(k5, (INC, OUTC), dtype=jnp.float32, minval=-s, maxval=s)
    b_pt = jnp.zeros((OUTC,), dtype=jnp.float32)
    return {"z_F": z_F, "edge_index": edge_index, "kidx": kidx, "W": W, "W_pt": W_pt, "b_pt": b_pt}


def reference(z_F, edge_index, kidx, W, W_pt, b_pt):
    # x = self.net(z): submanifold sparse conv via gather -> per-offset matmul -> scatter-add.
    src = edge_index[0]
    dst = edge_index[1]
    msg = jnp.take(z_F, src, axis=0)                      # gather [E, INC]
    seg = dst * KV + kidx                                  # combined (dst, kernel-offset) segment id
    agg = jax.ops.segment_sum(msg, seg, num_segments=N * KV)  # scatter-add [N*KV, INC]
    agg = agg.reshape(N, KV, INC)
    conv = jnp.einsum('nki,kio->no', agg, W)               # [N, OUTC]
    # x.F = x.F + self.point_transforms(z.F)
    out_F = conv + z_F @ W_pt + b_pt
    return out_F

if __name__ == "__main__":
    import jax
    _d = setup_inputs()
    print(jax.jit(kernel)(*tuple(_d.values())))

</pallas_src>

<mosaic_0001>
#map = affine_map<(d0, d1) -> (0, 0)>
#map1 = affine_map<(d0, d1) -> (0)>
#map2 = affine_map<(d0, d1) -> (0, 0, 0)>
module attributes {stable_mosaic.version = 14 : i64} {
  func.func @_sc_body(%arg0: i32, %arg1: i32, %arg2: memref<270000x128xf32, #tpu.memory_space<hbm>>, %arg3: memref<323584xi32, #tpu.memory_space<hbm>>, %arg4: memref<323584xi32, #tpu.memory_space<hbm>>, %arg5: memref<2x10112x128xf32, #tpu.memory_space<hbm>>, %arg6: memref<128xi32, #tpu.memory_space<vmem>>, %arg7: memref<128xi32, #tpu.memory_space<vmem>>, %arg8: memref<128x128xf32, #tpu.memory_space<vmem>>, %arg9: memref<10112x128xf32, #tpu.memory_space<vmem_shared>>, %arg10: memref<!tpu.dma_semaphore, #tpu.memory_space<semaphore_mem>>) attributes {dimension_semantics = [#tpu.dimension_semantics<core_parallel>, #tpu.dimension_semantics<subcore_parallel>], iteration_bounds = array<i64: 2, 16>, scalar_prefetch = 0 : i64, scratch_operands = 5 : i64, tpu.core_type = #tpu.core_type<sc_vector_subcore>, window_params = [{transform_indices = #map}, {transform_indices = #map1}, {transform_indices = #map1}, {transform_indices = #map2}]} {
    %mul3A = arith.constant 16 : i32
    %mul3A_0 = arith.muli %arg0, %mul3A : i32
    %add3A = arith.addi %mul3A_0, %arg1 : i32
    %scan3A = arith.constant 0 : i32
    %scan3A_1 = arith.constant 0 : i32
    %scan3A_2 = arith.constant 1024 : i32
    %scan3A_3 = arith.addi %scan3A_1, %scan3A_2 : i32
    %scan3A_4 = arith.constant 1 : i32
    scf.for %scan3A_27 = %scan3A_1 to %scan3A_3 step %scan3A_4  : i32 {
      %jit3A = arith.constant 8 : i32
      %div3A = arith.divsi %scan3A_27, %jit3A : i32
      %sign3A = arith.constant 0 : i32
      %sign3A_28 = arith.cmpi sgt, %scan3A_27, %sign3A : i32
      %sign3A_29 = arith.extui %sign3A_28 : i1 to i32
      %sign3A_30 = arith.constant 0 : i32
      %sign3A_31 = arith.cmpi slt, %scan3A_27, %sign3A_30 : i32
      %sign3A_32 = arith.extui %sign3A_31 : i1 to i32
      %sign3A_33 = arith.subi %sign3A_29, %sign3A_32 : i32
      %sign3A_34 = arith.constant 0 : i32
      %sign3A_35 = arith.cmpi sgt, %jit3A, %sign3A_34 : i32
      %sign3A_36 = arith.extui %sign3A_35 : i1 to i32
      %sign3A_37 = arith.constant 0 : i32
      %sign3A_38 = arith.cmpi slt, %jit3A, %sign3A_37 : i32
      %sign3A_39 = arith.extui %sign3A_38 : i1 to i32
      %sign3A_40 = arith.subi %sign3A_36, %sign3A_39 : i32
      %ne3A = arith.cmpi ne, %sign3A_33, %sign3A_40 : i32
      %rem3A = arith.remsi %scan3A_27, %jit3A : i32
      %ne3A_41 = arith.constant 0 : i32
      %ne3A_42 = arith.cmpi ne, %rem3A, %ne3A_41 : i32
      %and3A = arith.andi %ne3A, %ne3A_42 : i1
      %sub3A = arith.constant 1 : i32
      %sub3A_43 = arith.subi %div3A, %sub3A : i32
      %select_n3A = arith.select %and3A, %sub3A_43, %div3A : i32
      %jit3A_44 = arith.constant 8 : i32
      %eq3A = arith.constant 0 : i32
      %eq3A_45 = arith.cmpi eq, %jit3A_44, %eq3A : i32
      %jit3A_46 = arith.constant 1 : i32
      %select_n3A_47 = arith.select %eq3A_45, %jit3A_46, %jit3A_44 : i32
      %rem3A_48 = arith.remsi %scan3A_27, %select_n3A_47 : i32
      %ne3A_49 = arith.constant 0 : i32
      %ne3A_50 = arith.cmpi ne, %rem3A_48, %ne3A_49 : i32
      %lt3A = arith.constant 0 : i32
      %lt3A_51 = arith.cmpi slt, %rem3A_48, %lt3A : i32
      %lt3A_52 = arith.constant 0 : i32
      %lt3A_53 = arith.cmpi slt, %select_n3A_47, %lt3A_52 : i32
      %ne3A_54 = arith.xori %lt3A_51, %lt3A_53 : i1
      %and3A_55 = arith.andi %ne3A_54, %ne3A_50 : i1
      %add3A_56 = arith.addi %rem3A_48, %select_n3A_47 : i32
      %select_n3A_57 = arith.select %and3A_55, %add3A_56, %rem3A_48 : i32
      %mul3A_58 = arith.constant 16 : i32
      %mul3A_59 = arith.muli %select_n3A_57, %mul3A_58 : i32
      %broadcast_in_dim3A = arith.constant 0.000000e+00 : f32
      %broadcast_in_dim3A_60 = vector.broadcast %broadcast_in_dim3A : f32 to vector<16xf32>
      %swap3A = arith.index_cast %select_n3A : i32 to index
      %swap3A_61 = arith.index_cast %mul3A_59 : i32 to index
      %swap3A_62 = tpu.vector_load %arg8[%swap3A, %swap3A_61] {strides = array<i32>} : memref<128x128xf32, #tpu.memory_space<vmem>>, vector<1x16xf32>,
      %swap3A_63 = vector.shape_cast %swap3A_62 : vector<1x16xf32> to vector<16xf32>
      %swap3A_64 = vector.shape_cast %broadcast_in_dim3A_60 : vector<16xf32> to vector<1x16xf32>
      tpu.vector_store %arg8[%swap3A, %swap3A_61], %swap3A_64 {strides = array<i32>} : memref<128x128xf32, #tpu.memory_space<vmem>>, vector<1x16xf32>,
    }
    %scan3A_5 = arith.constant 1024 : i32
    %mul3A_6 = arith.constant 632 : i32
    %mul3A_7 = arith.muli %arg1, %mul3A_6 : i32
    %add3A_8 = arith.constant 0 : i32
    %add3A_9 = arith.addi %mul3A_7, %add3A_8 : i32
    "tpu.region"() ({
      %run_scoped3A = tpu.sem_alloc : memref<!tpu.dma_semaphore, #tpu.memory_space<semaphore_mem>>
      %dma_start3A = arith.constant 0 : i32
      %dma_start3A_27 = arith.constant 0 : i32
      %dma_start3A_28 = tpu.memref_slice %arg8[%dma_start3A, %dma_start3A_27] : memref<128x128xf32, #tpu.memory_space<vmem>> -> memref<128x128xf32, #tpu.memory_space<vmem>>
      %dma_start3A_29 = arith.constant 0 : i32
      %dma_start3A_30 = tpu.memref_slice %arg9[%add3A_9, %dma_start3A_29] : memref<10112x128xf32, #tpu.memory_space<vmem_shared>> -> memref<128x128xf32, #tpu.memory_space<vmem_shared>>
      %dma_start3A_31 = arith.constant 0 : i32
      %dma_start3A_32 = tpu.memref_slice %arg9[%add3A_9, %dma_start3A_31] : memref<10112x128xf32, #tpu.memory_space<vmem_shared>> -> memref<128x128xf32, #tpu.memory_space<vmem_shared>>
      %dma_start3A_33 = arith.constant 0 : i32
      %dma_start3A_34 = arith.constant 0 : i32
      %dma_start3A_35 = tpu.memref_slice %arg8[%dma_start3A_33, %dma_start3A_34] : memref<128x128xf32, #tpu.memory_space<vmem>> -> memref<128x128xf32, #tpu.memory_space<vmem>>
      tpu.enqueue_dma source(%dma_start3A_35 : memref<128x128xf32, #tpu.memory_space<vmem>>) target(%dma_start3A_32 : memref<128x128xf32, #tpu.memory_space<vmem_shared>>) target_semaphore(%run_scoped3A : memref<!tpu.dma_semaphore, #tpu.memory_space<semaphore_mem>>)
      %dma_wait3A = arith.constant 0 : i32
      %dma_wait3A_36 = arith.constant 0 : i32
      %dma_wait3A_37 = tpu.memref_slice %arg8[%dma_wait3A, %dma_wait3A_36] : memref<128x128xf32, #tpu.memory_space<vmem>> -> memref<128x128xf32, #tpu.memory_space<vmem>>
      %dma_wait3A_38 = arith.constant 0 : i32
      %dma_wait3A_39 = tpu.memref_slice %arg9[%add3A_9, %dma_wait3A_38] : memref<10112x128xf32, #tpu.memory_space<vmem_shared>> -> memref<128x128xf32, #tpu.memory_space<vmem_shared>>
      %dma_wait3A_40 = arith.constant 0 : i32
      %dma_wait3A_41 = tpu.memref_slice %arg9[%add3A_9, %dma_wait3A_40] : memref<10112x128xf32, #tpu.memory_space<vmem_shared>> -> memref<128x128xf32, #tpu.memory_space<vmem_shared>>
      %dma_wait3A_42 = arith.constant 0 : i32
      %dma_wait3A_43 = arith.constant 0 : i32
      %dma_wait3A_44 = tpu.memref_slice %arg8[%dma_wait3A_42, %dma_wait3A_43] : memref<128x128xf32, #tpu.memory_space<vmem>> -> memref<128x128xf32, #tpu.memory_space<vmem>>
      tpu.wait_dma2 semaphore(%run_scoped3A : memref<!tpu.dma_semaphore, #tpu.memory_space<semaphore_mem>>) src(%dma_wait3A_44 : memref<128x128xf32, #tpu.memory_space<vmem>>) dst(%dma_wait3A_41 : memref<128x128xf32, #tpu.memory_space<vmem_shared>>)
      tpu.yield
    }) : () -> ()
    %add3A_10 = arith.constant 128 : i32
    %add3A_11 = arith.addi %mul3A_7, %add3A_10 : i32
    "tpu.region"() ({
      %run_scoped3A = tpu.sem_alloc : memref<!tpu.dma_semaphore, #tpu.memory_space<semaphore_mem>>
      %dma_start3A = arith.constant 0 : i32
      %dma_start3A_27 = arith.constant 0 : i32
      %dma_start3A_28 = tpu.memref_slice %arg8[%dma_start3A, %dma_start3A_27] : memref<128x128xf32, #tpu.memory_space<vmem>> -> memref<128x128xf32, #tpu.memory_space<vmem>>
      %dma_start3A_29 = arith.constant 0 : i32
      %dma_start3A_30 = tpu.memref_slice %arg9[%add3A_11, %dma_start3A_29] : memref<10112x128xf32, #tpu.memory_space<vmem_shared>> -> memref<128x128xf32, #tpu.memory_space<vmem_shared>>
      %dma_start3A_31 = arith.constant 0 : i32
      %dma_start3A_32 = tpu.memref_slice %arg9[%add3A_11, %dma_start3A_31] : memref<10112x128xf32, #tpu.memory_space<vmem_shared>> -> memref<128x128xf32, #tpu.memory_space<vmem_shared>>
      %dma_start3A_33 = arith.constant 0 : i32
      %dma_start3A_34 = arith.constant 0 : i32
      %dma_start3A_35 = tpu.memref_slice %arg8[%dma_start3A_33, %dma_start3A_34] : memref<128x128xf32, #tpu.memory_space<vmem>> -> memref<128x128xf32, #tpu.memory_space<vmem>>
      tpu.enqueue_dma source(%dma_start3A_35 : memref<128x128xf32, #tpu.memory_space<vmem>>) target(%dma_start3A_32 : memref<128x128xf32, #tpu.memory_space<vmem_shared>>) target_semaphore(%run_scoped3A : memref<!tpu.dma_semaphore, #tpu.memory_space<semaphore_mem>>)
      %dma_wait3A = arith.constant 0 : i32
      %dma_wait3A_36 = arith.constant 0 : i32
      %dma_wait3A_37 = tpu.memref_slice %arg8[%dma_wait3A, %dma_wait3A_36] : memref<128x128xf32, #tpu.memory_space<vmem>> -> memref<128x128xf32, #tpu.memory_space<vmem>>
      %dma_wait3A_38 = arith.constant 0 : i32
      %dma_wait3A_39 = tpu.memref_slice %arg9[%add3A_11, %dma_wait3A_38] : memref<10112x128xf32, #tpu.memory_space<vmem_shared>> -> memref<128x128xf32, #tpu.memory_space<vmem_shared>>
      %dma_wait3A_40 = arith.constant 0 : i32
      %dma_wait3A_41 = tpu.memref_slice %arg9[%add3A_11, %dma_wait3A_40] : memref<10112x128xf32, #tpu.memory_space<vmem_shared>> -> memref<128x128xf32, #tpu.memory_space<vmem_shared>>
      %dma_wait3A_42 = arith.constant 0 : i32
      %dma_wait3A_43 = arith.constant 0 : i32
      %dma_wait3A_44 = tpu.memref_slice %arg8[%dma_wait3A_42, %dma_wait3A_43] : memref<128x128xf32, #tpu.memory_space<vmem>> -> memref<128x128xf32, #tpu.memory_space<vmem>>
      tpu.wait_dma2 semaphore(%run_scoped3A : memref<!tpu.dma_semaphore, #tpu.memory_space<semaphore_mem>>) src(%dma_wait3A_44 : memref<128x128xf32, #tpu.memory_space<vmem>>) dst(%dma_wait3A_41 : memref<128x128xf32, #tpu.memory_space<vmem_shared>>)
      tpu.yield
    }) : () -> ()
    %add3A_12 = arith.constant 256 : i32
    %add3A_13 = arith.addi %mul3A_7, %add3A_12 : i32
    "tpu.region"() ({
      %run_scoped3A = tpu.sem_alloc : memref<!tpu.dma_semaphore, #tpu.memory_space<semaphore_mem>>
      %dma_start3A = arith.constant 0 : i32
      %dma_start3A_27 = arith.constant 0 : i32
      %dma_start3A_28 = tpu.memref_slice %arg8[%dma_start3A, %dma_start3A_27] : memref<128x128xf32, #tpu.memory_space<vmem>> -> memref<128x128xf32, #tpu.memory_space<vmem>>
      %dma_start3A_29 = arith.constant 0 : i32
      %dma_start3A_30 = tpu.memref_slice %arg9[%add3A_13, %dma_start3A_29] : memref<10112x128xf32, #tpu.memory_space<vmem_shared>> -> memref<128x128xf32, #tpu.memory_space<vmem_shared>>
      %dma_start3A_31 = arith.constant 0 : i32
      %dma_start3A_32 = tpu.memref_slice %arg9[%add3A_13, %dma_start3A_31] : memref<10112x128xf32, #tpu.memory_space<vmem_shared>> -> memref<128x128xf32, #tpu.memory_space<vmem_shared>>
      %dma_start3A_33 = arith.constant 0 : i32
      %dma_start3A_34 = arith.constant 0 : i32
      %dma_start3A_35 = tpu.memref_slice %arg8[%dma_start3A_33, %dma_start3A_34] : memref<128x128xf32, #tpu.memory_space<vmem>> -> memref<128x128xf32, #tpu.memory_space<vmem>>
      tpu.enqueue_dma source(%dma_start3A_35 : memref<128x128xf32, #tpu.memory_space<vmem>>) target(%dma_start3A_32 : memref<128x128xf32, #tpu.memory_space<vmem_shared>>) target_semaphore(%run_scoped3A : memref<!tpu.dma_semaphore, #tpu.memory_space<semaphore_mem>>)
      %dma_wait3A = arith.constant 0 : i32
      %dma_wait3A_36 = arith.constant 0 : i32
      %dma_wait3A_37 = tpu.memref_slice %arg8[%dma_wait3A, %dma_wait3A_36] : memref<128x128xf32, #tpu.memory_space<vmem>> -> memref<128x128xf32, #tpu.memory_space<vmem>>
      %dma_wait3A_38 = arith.constant 0 : i32
      %dma_wait3A_39 = tpu.memref_slice %arg9[%add3A_13, %dma_wait3A_38] : memref<10112x128xf32, #tpu.memory_space<vmem_shared>> -> memref<128x128xf32, #tpu.memory_space<vmem_shared>>
      %dma_wait3A_40 = arith.constant 0 : i32
      %dma_wait3A_41 = tpu.memref_slice %arg9[%add3A_13, %dma_wait3A_40] : memref<10112x128xf32, #tpu.memory_space<vmem_shared>> -> memref<128x128xf32, #tpu.memory_space<vmem_shared>>
      %dma_wait3A_42 = arith.constant 0 : i32
      %dma_wait3A_43 = arith.constant 0 : i32
      %dma_wait3A_44 = tpu.memref_slice %arg8[%dma_wait3A_42, %dma_wait3A_43] : memref<128x128xf32, #tpu.memory_space<vmem>> -> memref<128x128xf32, #tpu.memory_space<vmem>>
      tpu.wait_dma2 semaphore(%run_scoped3A : memref<!tpu.dma_semaphore, #tpu.memory_space<semaphore_mem>>) src(%dma_wait3A_44 : memref<128x128xf32, #tpu.memory_space<vmem>>) dst(%dma_wait3A_41 : memref<128x128xf32, #tpu.memory_space<vmem_shared>>)
      tpu.yield
    }) : () -> ()
    %add3A_14 = arith.constant 384 : i32
    %add3A_15 = arith.addi %mul3A_7, %add3A_14 : i32
    "tpu.region"() ({
      %run_scoped3A = tpu.sem_alloc : memref<!tpu.dma_semaphore, #tpu.memory_space<semaphore_mem>>
      %dma_start3A = arith.constant 0 : i32
      %dma_start3A_27 = arith.constant 0 : i32
      %dma_start3A_28 = tpu.memref_slice %arg8[%dma_start3A, %dma_start3A_27] : memref<128x128xf32, #tpu.memory_space<vmem>> -> memref<128x128xf32, #tpu.memory_space<vmem>>
      %dma_start3A_29 = arith.constant 0 : i32
      %dma_start3A_30 = tpu.memref_slice %arg9[%add3A_15, %dma_start3A_29] : memref<10112x128xf32, #tpu.memory_space<vmem_shared>> -> memref<128x128xf32, #tpu.memory_space<vmem_shared>>
      %dma_start3A_31 = arith.constant 0 : i32
      %dma_start3A_32 = tpu.memref_slice %arg9[%add3A_15, %dma_start3A_31] : memref<10112x128xf32, #tpu.memory_space<vmem_shared>> -> memref<128x128xf32, #tpu.memory_space<vmem_shared>>
      %dma_start3A_33 = arith.constant 0 : i32
      %dma_start3A_34 = arith.constant 0 : i32
      %dma_start3A_35 = tpu.memref_slice %arg8[%dma_start3A_33, %dma_start3A_34] : memref<128x128xf32, #tpu.memory_space<vmem>> -> memref<128x128xf32, #tpu.memory_space<vmem>>
      tpu.enqueue_dma source(%dma_start3A_35 : memref<128x128xf32, #tpu.memory_space<vmem>>) target(%dma_start3A_32 : memref<128x128xf32, #tpu.memory_space<vmem_shared>>) target_semaphore(%run_scoped3A : memref<!tpu.dma_semaphore, #tpu.memory_space<semaphore_mem>>)
      %dma_wait3A = arith.constant 0 : i32
      %dma_wait3A_36 = arith.constant 0 : i32
      %dma_wait3A_37 = tpu.memref_slice %arg8[%dma_wait3A, %dma_wait3A_36] : memref<128x128xf32, #tpu.memory_space<vmem>> -> memref<128x128xf32, #tpu.memory_space<vmem>>
      %dma_wait3A_38 = arith.constant 0 : i32
      %dma_wait3A_39 = tpu.memref_slice %arg9[%add3A_15, %dma_wait3A_38] : memref<10112x128xf32, #tpu.memory_space<vmem_shared>> -> memref<128x128xf32, #tpu.memory_space<vmem_shared>>
      %dma_wait3A_40 = arith.constant 0 : i32
      %dma_wait3A_41 = tpu.memref_slice %arg9[%add3A_15, %dma_wait3A_40] : memref<10112x128xf32, #tpu.memory_space<vmem_shared>> -> memref<128x128xf32, #tpu.memory_space<vmem_shared>>
      %dma_wait3A_42 = arith.constant 0 : i32
      %dma_wait3A_43 = arith.constant 0 : i32
      %dma_wait3A_44 = tpu.memref_slice %arg8[%dma_wait3A_42, %dma_wait3A_43] : memref<128x128xf32, #tpu.memory_space<vmem>> -> memref<128x128xf32, #tpu.memory_space<vmem>>
      tpu.wait_dma2 semaphore(%run_scoped3A : memref<!tpu.dma_semaphore, #tpu.memory_space<semaphore_mem>>) src(%dma_wait3A_44 : memref<128x128xf32, #tpu.memory_space<vmem>>) dst(%dma_wait3A_41 : memref<128x128xf32, #tpu.memory_space<vmem_shared>>)
      tpu.yield
    }) : () -> ()
    %add3A_16 = arith.constant 512 : i32
    %add3A_17 = arith.addi %mul3A_7, %add3A_16 : i32
    "tpu.region"() ({
      %run_scoped3A = tpu.sem_alloc : memref<!tpu.dma_semaphore, #tpu.memory_space<semaphore_mem>>
      %dma_start3A = arith.constant 0 : i32
      %dma_start3A_27 = arith.constant 0 : i32
      %dma_start3A_28 = tpu.memref_slice %arg8[%dma_start3A, %dma_start3A_27] : memref<128x128xf32, #tpu.memory_space<vmem>> -> memref<120x128xf32, #tpu.memory_space<vmem>>
      %dma_start3A_29 = arith.constant 0 : i32
      %dma_start3A_30 = tpu.memref_slice %arg9[%add3A_17, %dma_start3A_29] : memref<10112x128xf32, #tpu.memory_space<vmem_shared>> -> memref<120x128xf32, #tpu.memory_space<vmem_shared>>
      %dma_start3A_31 = arith.constant 0 : i32
      %dma_start3A_32 = tpu.memref_slice %arg9[%add3A_17, %dma_start3A_31] : memref<10112x128xf32, #tpu.memory_space<vmem_shared>> -> memref<120x128xf32, #tpu.memory_space<vmem_shared>>
      %dma_start3A_33 = arith.constant 0 : i32
      %dma_start3A_34 = arith.constant 0 : i32
      %dma_start3A_35 = tpu.memref_slice %arg8[%dma_start3A_33, %dma_start3A_34] : memref<128x128xf32, #tpu.memory_space<vmem>> -> memref<120x128xf32, #tpu.memory_space<vmem>>
      tpu.enqueue_dma source(%dma_start3A_35 : memref<120x128xf32, #tpu.memory_space<vmem>>) target(%dma_start3A_32 : memref<120x128xf32, #tpu.memory_space<vmem_shared>>) target_semaphore(%run_scoped3A : memref<!tpu.dma_semaphore, #tpu.memory_space<semaphore_mem>>)
      %dma_wait3A = arith.constant 0 : i32
      %dma_wait3A_36 = arith.constant 0 : i32
      %dma_wait3A_37 = tpu.memref_slice %arg8[%dma_wait3A, %dma_wait3A_36] : memref<128x128xf32, #tpu.memory_space<vmem>> -> memref<120x128xf32, #tpu.memory_space<vmem>>
      %dma_wait3A_38 = arith.constant 0 : i32
      %dma_wait3A_39 = tpu.memref_slice %arg9[%add3A_17, %dma_wait3A_38] : memref<10112x128xf32, #tpu.memory_space<vmem_shared>> -> memref<120x128xf32, #tpu.memory_space<vmem_shared>>
      %dma_wait3A_40 = arith.constant 0 : i32
      %dma_wait3A_41 = tpu.memref_slice %arg9[%add3A_17, %dma_wait3A_40] : memref<10112x128xf32, #tpu.memory_space<vmem_shared>> -> memref<120x128xf32, #tpu.memory_space<vmem_shared>>
      %dma_wait3A_42 = arith.constant 0 : i32
      %dma_wait3A_43 = arith.constant 0 : i32
      %dma_wait3A_44 = tpu.memref_slice %arg8[%dma_wait3A_42, %dma_wait3A_43] : memref<128x128xf32, #tpu.memory_space<vmem>> -> memref<120x128xf32, #tpu.memory_space<vmem>>
      tpu.wait_dma2 semaphore(%run_scoped3A : memref<!tpu.dma_semaphore, #tpu.memory_space<semaphore_mem>>) src(%dma_wait3A_44 : memref<120x128xf32, #tpu.memory_space<vmem>>) dst(%dma_wait3A_41 : memref<120x128xf32, #tpu.memory_space<vmem_shared>>)
      tpu.yield
    }) : () -> ()
    %barrier3A = arith.constant 0 : index
    tpu.barrier barrier_id(%barrier3A)
    %mul3A_18 = arith.constant 10112 : i32
    %mul3A_19 = arith.muli %add3A, %mul3A_18 : i32
    %scan3A_20 = arith.constant 0 : i32
    %scan3A_21 = arith.constant 0 : i32
    %scan3A_22 = arith.constant 79 : i32
    %scan3A_23 = arith.addi %scan3A_21, %scan3A_22 : i32
    %scan3A_24 = arith.constant 1 : i32
    scf.for %scan3A_27 = %scan3A_21 to %scan3A_23 step %scan3A_24  : i32 {
      %mul3A_28 = arith.constant 128 : i32
      %mul3A_29 = arith.muli %scan3A_27, %mul3A_28 : i32
      %add3A_30 = arith.addi %mul3A_19, %mul3A_29 : i32
      "tpu.region"() ({
        %run_scoped3A = tpu.sem_alloc : memref<!tpu.dma_semaphore, #tpu.memory_space<semaphore_mem>>
        %dma_start3A_35 = tpu.memref_slice %arg3[%add3A_30] : memref<323584xi32, #tpu.memory_space<hbm>> -> memref<128xi32, #tpu.memory_space<hbm>>
        %dma_start3A_36 = tpu.memref_slice %arg3[%add3A_30] : memref<323584xi32, #tpu.memory_space<hbm>> -> memref<128xi32, #tpu.memory_space<hbm>>
        tpu.enqueue_dma source(%dma_start3A_36 : memref<128xi32, #tpu.memory_space<hbm>>) target(%arg6 : memref<128xi32, #tpu.memory_space<vmem>>) target_semaphore(%run_scoped3A : memref<!tpu.dma_semaphore, #tpu.memory_space<semaphore_mem>>)
        %dma_wait3A_37 = tpu.memref_slice %arg3[%add3A_30] : memref<323584xi32, #tpu.memory_space<hbm>> -> memref<128xi32, #tpu.memory_space<hbm>>
        %dma_wait3A_38 = tpu.memref_slice %arg3[%add3A_30] : memref<323584xi32, #tpu.memory_space<hbm>> -> memref<128xi32, #tpu.memory_space<hbm>>
        tpu.wait_dma2 semaphore(%run_scoped3A : memref<!tpu.dma_semaphore, #tpu.memory_space<semaphore_mem>>) src(%dma_wait3A_38 : memref<128xi32, #tpu.memory_space<hbm>>) dst(%arg6 : memref<128xi32, #tpu.memory_space<vmem>>)
        tpu.yield
      }) : () -> ()
      "tpu.region"() ({
        %run_scoped3A = tpu.sem_alloc : memref<!tpu.dma_semaphore, #tpu.memory_space<semaphore_mem>>
        %dma_start3A_35 = tpu.memref_slice %arg4[%add3A_30] : memref<323584xi32, #tpu.memory_space<hbm>> -> memref<128xi32, #tpu.memory_space<hbm>>
        %dma_start3A_36 = tpu.memref_slice %arg4[%add3A_30] : memref<323584xi32, #tpu.memory_space<hbm>> -> memref<128xi32, #tpu.memory_space<hbm>>
        tpu.enqueue_dma source(%dma_start3A_36 : memref<128xi32, #tpu.memory_space<hbm>>) target(%arg7 : memref<128xi32, #tpu.memory_space<vmem>>) target_semaphore(%run_scoped3A : memref<!tpu.dma_semaphore, #tpu.memory_space<semaphore_mem>>)
        %dma_wait3A_37 = tpu.memref_slice %arg4[%add3A_30] : memref<323584xi32, #tpu.memory_space<hbm>> -> memref<128xi32, #tpu.memory_space<hbm>>
        %dma_wait3A_38 = tpu.memref_slice %arg4[%add3A_30] : memref<323584xi32, #tpu.memory_space<hbm>> -> memref<128xi32, #tpu.memory_space<hbm>>
        tpu.wait_dma2 semaphore(%run_scoped3A : memref<!tpu.dma_semaphore, #tpu.memory_space<semaphore_mem>>) src(%dma_wait3A_38 : memref<128xi32, #tpu.memory_space<hbm>>) dst(%arg7 : memref<128xi32, #tpu.memory_space<vmem>>)
        tpu.yield
      }) : () -> ()
      %dma_start3A = arith.constant 0 : i32
      %dma_start3A_31 = arith.constant 0 : i32
      %dma_start3A_32 = tpu.memref_slice %arg2[%dma_start3A, %dma_start3A_31] : memref<270000x128xf32, #tpu.memory_space<hbm>> -> memref<270000x128xf32, #tpu.memory_space<hbm>>
      tpu.enqueue_indirect_dma source(%dma_start3A_32 : memref<270000x128xf32, #tpu.memory_space<hbm>>) target(%arg8 : memref<128x128xf32, #tpu.memory_space<vmem>>) offsets(%arg6 : memref<128xi32, #tpu.memory_space<vmem>>) semaphore(%arg10 : memref<!tpu.dma_semaphore, #tpu.memory_space<semaphore_mem>>)
      %dma_wait3A = arith.constant 0 : i32
      %dma_wait3A_33 = arith.constant 0 : i32
      %dma_wait3A_34 = tpu.memref_slice %arg2[%dma_wait3A, %dma_wait3A_33] : memref<270000x128xf32, #tpu.memory_space<hbm>> -> memref<270000x128xf32, #tpu.memory_space<hbm>>
      tpu.wait_indirect_dma semaphore(%arg10 : memref<!tpu.dma_semaphore, #tpu.memory_space<semaphore_mem>>) src(%dma_wait3A_34 : memref<270000x128xf32, #tpu.memory_space<hbm>>) dst(%arg8 : memref<128x128xf32, #tpu.memory_space<vmem>>)
      "tpu.region"() ({
        %run_scoped3A = tpu.sem_alloc : memref<!tpu.dma_semaphore, #tpu.memory_space<semaphore_mem>>
        %dma_start3A_35 = arith.constant 0 : i32
        %dma_start3A_36 = arith.constant 0 : i32
        %dma_start3A_37 = tpu.memref_slice %arg9[%dma_start3A_35, %dma_start3A_36] : memref<10112x128xf32, #tpu.memory_space<vmem_shared>> -> memref<10112x128xf32, #tpu.memory_space<vmem_shared>>
        tpu.enqueue_indirect_dma source(%arg8 : memref<128x128xf32, #tpu.memory_space<vmem>>) target(%dma_start3A_37 : memref<10112x128xf32, #tpu.memory_space<vmem_shared>>) offsets(%arg7 : memref<128xi32, #tpu.memory_space<vmem>>) semaphore(%run_scoped3A : memref<!tpu.dma_semaphore, #tpu.memory_space<semaphore_mem>>) {add = true}
        %dma_wait3A_38 = arith.constant 0 : i32
        %dma_wait3A_39 = arith.constant 0 : i32
        %dma_wait3A_40 = tpu.memref_slice %arg9[%dma_wait3A_38, %dma_wait3A_39] : memref<10112x128xf32, #tpu.memory_space<vmem_shared>> -> memref<10112x128xf32, #tpu.memory_space<vmem_shared>>
        tpu.wait_indirect_dma semaphore(%run_scoped3A : memref<!tpu.dma_semaphore, #tpu.memory_space<semaphore_mem>>) src(%arg8 : memref<128x128xf32, #tpu.memory_space<vmem>>) dst(%dma_wait3A_40 : memref<10112x128xf32, #tpu.memory_space<vmem_shared>>)
        tpu.yield
      }) : () -> ()
    }
    %scan3A_25 = arith.constant 79 : i32
    %barrier3A_26 = arith.constant 0 : index
    tpu.barrier barrier_id(%barrier3A_26)
    "tpu.region"() ({
      %run_scoped3A = tpu.sem_alloc : memref<!tpu.dma_semaphore, #tpu.memory_space<semaphore_mem>>
      %dma_start3A = arith.constant 0 : i32
      %dma_start3A_27 = tpu.memref_slice %arg5[%arg0, %mul3A_7, %dma_start3A] : memref<2x10112x128xf32, #tpu.memory_space<hbm>> -> memref<1x632x128xf32, #tpu.memory_space<hbm>>
      %dma_start3A_28 = tpu.memref_squeeze %dma_start3A_27 : memref<1x632x128xf32, #tpu.memory_space<hbm>> -> memref<632x128xf32, #tpu.memory_space<hbm>>
      %dma_start3A_29 = arith.constant 0 : i32
      %dma_start3A_30 = tpu.memref_slice %arg9[%mul3A_7, %dma_start3A_29] : memref<10112x128xf32, #tpu.memory_space<vmem_shared>> -> memref<632x128xf32, #tpu.memory_space<vmem_shared>>
      tpu.enqueue_dma source(%dma_start3A_30 : memref<632x128xf32, #tpu.memory_space<vmem_shared>>) target(%dma_start3A_28 : memref<632x128xf32, #tpu.memory_space<hbm>>) target_semaphore(%run_scoped3A : memref<!tpu.dma_semaphore, #tpu.memory_space<semaphore_mem>>)
      %dma_wait3A = arith.constant 0 : i32
      %dma_wait3A_31 = tpu.memref_slice %arg5[%arg0, %mul3A_7, %dma_wait3A] : memref<2x10112x128xf32, #tpu.memory_space<hbm>> -> memref<1x632x128xf32, #tpu.memory_space<hbm>>
      %dma_wait3A_32 = tpu.memref_squeeze %dma_wait3A_31 : memref<1x632x128xf32, #tpu.memory_space<hbm>> -> memref<632x128xf32, #tpu.memory_space<hbm>>
      %dma_wait3A_33 = arith.constant 0 : i32
      %dma_wait3A_34 = tpu.memref_slice %arg9[%mul3A_7, %dma_wait3A_33] : memref<10112x128xf32, #tpu.memory_space<vmem_shared>> -> memref<632x128xf32, #tpu.memory_space<vmem_shared>>
      tpu.wait_dma2 semaphore(%run_scoped3A : memref<!tpu.dma_semaphore, #tpu.memory_space<semaphore_mem>>) src(%dma_wait3A_34 : memref<632x128xf32, #tpu.memory_space<vmem_shared>>) dst(%dma_wait3A_32 : memref<632x128xf32, #tpu.memory_space<hbm>>)
      tpu.yield
    }) : () -> ()
    return
  }
}

module attributes {stable_mosaic.version = 14 : i64} {
  func.func @_zmm_body(%arg0: i32, %arg1: i32, %arg2: memref<2000x128xf32, #tpu.memory_space<vmem>>, %arg3: memref<1x128x128xf32, #tpu.memory_space<vmem>>, %arg4: memref<1x2000x128xf32, #tpu.memory_space<vmem>>) attributes {dimension_semantics = [#tpu.dimension_semantics<arbitrary>, #tpu.dimension_semantics<arbitrary>], iteration_bounds = array<i64: 5, 27>, scalar_prefetch = 0 : i64, scratch_operands = 0 : i64, tpu.core_type = #tpu.core_type<tc>, window_params = [{transform_indices = @transform_0, window_bounds = array<i64: 2000, 128>}, {transform_indices = @transform_1, window_bounds = array<i64: 1, 128, 128>}, {transform_indices = @transform_2, window_bounds = array<i64: 1, 2000, 128>}]} {
    %get3A = arith.constant 0 : index
    %get3A_0 = arith.constant 0 : index
    %get3A_1 = vector.load %arg2[%get3A, %get3A_0] : memref<2000x128xf32, #tpu.memory_space<vmem>>, vector<2000x128xf32>
    %get3A_2 = arith.constant 0 : index
    %get3A_3 = arith.constant 0 : index
    %get3A_4 = arith.constant 0 : index
    %get3A_5 = vector.load %arg3[%get3A_2, %get3A_3, %get3A_4] : memref<1x128x128xf32, #tpu.memory_space<vmem>>, vector<1x128x128xf32>
    %get3A_6 = vector.shape_cast %get3A_5 : vector<1x128x128xf32> to vector<128x128xf32>
    %dot_general3A = arith.constant dense<0.000000e+00> : vector<2000x128xf32>
    %dot_general3A_7 = tpu.matmul %get3A_1, %get3A_6, %dot_general3A {dimension_numbers = #tpu.dot_dimension_numbers<[1], [0], [0], [1], [0, 0, 1, 1], [], []>, transpose_lhs_hint = false} : vector<2000x128xf32>, vector<128x128xf32>, vector<2000x128xf32> -> vector<2000x128xf32>
    %swap3A = arith.constant 0 : index
    %swap3A_8 = arith.constant 0 : index
    %swap3A_9 = arith.constant 0 : index
    %swap3A_10 = vector.load %arg4[%swap3A, %swap3A_8, %swap3A_9] : memref<1x2000x128xf32, #tpu.memory_space<vmem>>, vector<1x2000x128xf32>
    %swap3A_11 = vector.shape_cast %swap3A_10 : vector<1x2000x128xf32> to vector<2000x128xf32>
    %swap3A_12 = vector.shape_cast %dot_general3A_7 : vector<2000x128xf32> to vector<1x2000x128xf32>
    tpu.vector_store %arg4[%swap3A, %swap3A_8, %swap3A_9], %swap3A_12 {strides = array<i32>} : memref<1x2000x128xf32, #tpu.memory_space<vmem>>, vector<1x2000x128xf32>,
    return
  }
  func.func @transform_0(%arg0: i32, %arg1: i32) -> (i32, i32) {
    %c0_i32 = arith.constant 0 : i32
    %c0_i32_0 = arith.constant 0 : i32
    return %arg0, %c0_i32 : i32, i32
  }
  func.func @transform_1(%arg0: i32, %arg1: i32) -> (i32, i32, i32) {
    %c0_i32 = arith.constant 0 : i32
    %c0_i32_0 = arith.constant 0 : i32
    %c0_i32_1 = arith.constant 0 : i32
    return %arg1, %c0_i32, %c0_i32_0 : i32, i32, i32
  }
  func.func @transform_2(%arg0: i32, %arg1: i32) -> (i32, i32, i32) {
    %c0_i32 = arith.constant 0 : i32
    %c0_i32_0 = arith.constant 0 : i32
    return %arg1, %arg0, %c0_i32 : i32, i32, i32
  }
}

module attributes {stable_mosaic.version = 14 : i64} {
  func.func @_final_body(%arg0: i32, %arg1: memref<2x2000x128xf32, #tpu.memory_space<vmem>>, %arg2: memref<2000x128xf32, #tpu.memory_space<vmem>>, %arg3: memref<128x128xf32, #tpu.memory_space<vmem>>, %arg4: memref<1x128xf32, #tpu.memory_space<vmem>>, %arg5: memref<2000x128xf32, #tpu.memory_space<vmem>>) attributes {dimension_semantics = [#tpu.dimension_semantics<arbitrary>], iteration_bounds = array<i64: 5>, scalar_prefetch = 0 : i64, scratch_operands = 0 : i64, tpu.core_type = #tpu.core_type<tc>, window_params = [{transform_indices = @transform_0, window_bounds = array<i64: 2, 2000, 128>}, {transform_indices = @transform_1, window_bounds = array<i64: 2000, 128>}, {pipeline_mode = #tpu.pipeline_mode<synchronous>, transform_indices = @transform_2, window_bounds = array<i64: 128, 128>}, {pipeline_mode = #tpu.pipeline_mode<synchronous>, transform_indices = @transform_3, window_bounds = array<i64: 1, 128>}, {transform_indices = @transform_4, window_bounds = array<i64: 2000, 128>}]} {
    %get3A = arith.constant 0 : index
    %get3A_0 = arith.constant 0 : index
    %get3A_1 = vector.load %arg2[%get3A, %get3A_0] : memref<2000x128xf32, #tpu.memory_space<vmem>>, vector<2000x128xf32>
    %get3A_2 = arith.constant 0 : index
    %get3A_3 = arith.constant 0 : index
    %get3A_4 = vector.load %arg3[%get3A_2, %get3A_3] : memref<128x128xf32, #tpu.memory_space<vmem>>, vector<128x128xf32>
    %dot_general3A = arith.constant dense<0.000000e+00> : vector<2000x128xf32>
    %dot_general3A_5 = tpu.matmul %get3A_1, %get3A_4, %dot_general3A {dimension_numbers = #tpu.dot_dimension_numbers<[1], [0], [0], [1], [0, 0, 1, 1], [], []>, transpose_lhs_hint = false} : vector<2000x128xf32>, vector<128x128xf32>, vector<2000x128xf32> -> vector<2000x128xf32>
    %get3A_6 = arith.constant 0 : index
    %get3A_7 = arith.constant 0 : index
    %get3A_8 = arith.constant 0 : index
    %get3A_9 = vector.load %arg1[%get3A_6, %get3A_7, %get3A_8] : memref<2x2000x128xf32, #tpu.memory_space<vmem>>, vector<1x2000x128xf32>
    %get3A_10 = vector.shape_cast %get3A_9 : vector<1x2000x128xf32> to vector<2000x128xf32>
    %get3A_11 = arith.constant 1 : index
    %get3A_12 = arith.constant 0 : index
    %get3A_13 = arith.constant 0 : index
    %get3A_14 = vector.load %arg1[%get3A_11, %get3A_12, %get3A_13] : memref<2x2000x128xf32, #tpu.memory_space<vmem>>, vector<1x2000x128xf32>
    %get3A_15 = vector.shape_cast %get3A_14 : vector<1x2000x128xf32> to vector<2000x128xf32>
    %add3A = arith.addf %get3A_10, %get3A_15 : vector<2000x128xf32>
    %add3A_16 = arith.addf %add3A, %dot_general3A_5 : vector<2000x128xf32>
    %get3A_17 = arith.constant 0 : index
    %get3A_18 = arith.constant 0 : index
    %get3A_19 = vector.load %arg4[%get3A_17, %get3A_18] : memref<1x128xf32, #tpu.memory_space<vmem>>, vector<1x128xf32>
    %get3A_20 = vector.shape_cast %get3A_19 : vector<1x128xf32> to vector<128xf32>
    %broadcast_in_dim3A = vector.shape_cast %get3A_20 : vector<128xf32> to vector<1x128xf32>
    %add3A_21 = vector.broadcast %broadcast_in_dim3A : vector<1x128xf32> to vector<2000x128xf32>
    %add3A_22 = arith.addf %add3A_16, %add3A_21 : vector<2000x128xf32>
    %swap3A = arith.constant 0 : index
    %swap3A_23 = arith.constant 0 : index
    %swap3A_24 = vector.load %arg5[%swap3A, %swap3A_23] : memref<2000x128xf32, #tpu.memory_space<vmem>>, vector<2000x128xf32>
    tpu.vector_store %arg5[%swap3A, %swap3A_23], %add3A_22 {strides = array<i32>} : memref<2000x128xf32, #tpu.memory_space<vmem>>, vector<2000x128xf32>,
    return
  }
  func.func @transform_0(%arg0: i32) -> (i32, i32, i32) {
    %c0_i32 = arith.constant 0 : i32
    %c0_i32_0 = arith.constant 0 : i32
    %c0_i32_1 = arith.constant 0 : i32
    return %c0_i32, %arg0, %c0_i32_0 : i32, i32, i32
  }
  func.func @transform_1(%arg0: i32) -> (i32, i32) {
    %c0_i32 = arith.constant 0 : i32
    %c0_i32_0 = arith.constant 0 : i32
    return %arg0, %c0_i32 : i32, i32
  }
  func.func @transform_2(%arg0: i32) -> (i32, i32) {
    %c0_i32 = arith.constant 0 : i32
    %c0_i32_0 = arith.constant 0 : i32
    %c0_i32_1 = arith.constant 0 : i32
    return %c0_i32, %c0_i32_0 : i32, i32
  }
  func.func @transform_3(%arg0: i32) -> (i32, i32) {
    %c0_i32 = arith.constant 0 : i32
    %c0_i32_0 = arith.constant 0 : i32
    %c0_i32_1 = arith.constant 0 : i32
    return %c0_i32, %c0_i32_0 : i32, i32
  }
  func.func @transform_4(%arg0: i32) -> (i32, i32) {
    %c0_i32 = arith.constant 0 : i32
    %c0_i32_0 = arith.constant 0 : i32
    return %arg0, %c0_i32 : i32, i32
  }
}

</mosaic_0001>

<sc_bundles>
// kernel: kernel.5.cloned.1.call-start
scs
__scs_entry_jumppad:
0x0: {  	(pc) =	sbr.rel $0x88, $3  }
0x1: {  	(tag) =	ssettag $0x0;
	lr =	simm.s32 $0x1  }
0x2: {  	[smem:$0x3F9B] =	sst lr;
	_ =	strace $0xD0000000  }
0x3: {  	_ = 	snop  }
0x4: {  	_ = 	snop  }
0x5: {  	_ = 	snop  }
0x6: {  	_ = 	snop  }
0x7: {  	_ = 	snop  }
__scs_overlays_trampoline_lowered:
0x8: {  	[smem:$0x3FAA] =	sst s0  }
0x9: {  	[smem:$0x3FAB] =	sst s1  }
0xa: {  	[smem:$0x3FAC] =	sst s2  }
0xb: {  	[smem:$0x3FAD] =	sst s3  }
0xc: {  	[smem:$0x3FAE] =	sst s4  }
0xd: {  	[smem:$0x3FAF] =	sst s5  }
0xe: {  	[smem:$0x3FB0] =	sst s6  }
0xf: {  	[smem:$0x3FB1] =	sst s7  }
0x10: {  	[smem:$0x3FB2] =	sst s8  }
0x11: {  	[smem:$0x3FB3] =	sst s9;
	s0 =	simm.s32 @!p0 $0x0  }
0x12: {  	s1 =	sld [smem:$0x3F99];
	s0 =	simm.s32 @p0 $0x1  }
0x13: {  	[smem:$0x3FB4] =	sst s0;
	s0 =	simm.s32 @!p1 $0x0  }
0x14: {  	s2 =	sld [smem:$0x3F98];
	s0 =	simm.s32 @p1 $0x1  }
0x15: {  	[smem:$0x3FB5] =	sst s0;
	s0 =	simm.s32 @!p2 $0x0  }
0x16: {  	s3 =	sld [smem:$0x3FDB];
	s0 =	simm.s32 @p2 $0x1  }
0x17: {  	s4 =	simm.s32 $0x1BF5;
	[smem:$0x3FB7] =	sst s0  }
0x18: {  	s0 =	sld [smem:$0x3F9A];
	_ =	swait.ge [sflag:s4], $0x0  }
0x19: {  	s7 =	sld [smem:$0x3F9B]  }
0x1a: {  	s8 =	sadd.s32 $0xFFFFE003, lr  }
0x1b: {  	s9 =	sadd.s32 $0xFFFFFEF7, lr;
	s5 =	simm.s32 $0xFFFFFFFF;
	p2 =	slt.u32 s8, $0xFFFFF086  }
0x1c: {  	p1 =	slt.u32 s9, $0xF7A;
	s5 =	simm.s32 @!p2 $0x0  }
0x1d: {  	s5 =	simm.s32 @p1 $0x1;
	p0 =	seq.s32 s7, s2  }
0x1e: {  	s7 =	smul.u32 @!p0 $0xF7A, s2;
	p2 =	seq.s32 @!p0 s5, $0x0  }
0x1f: {  	s9 =	smul.u32 $0xF7A, s1;
	s8 =	simm.s32 @!p0 $0x1BF5;
	p2 =	por !p2, p0  }
0x20: {  	[sflag:s8] =	ssyncset.s32 @!p0 $0xFFFFF086;
	s6 =	sadd.s32 @!p0 s3, s7;
	s7 =	simm.s32 @!p0 $0x108  }
0x21: {  	s3 =	sadd.s32 s3, s9;
	s6 =	sadd.s32 @!p0 $0x88, s6;
	s7 =	simm.s32 @p2 $0x1082  }
0x22: {  	[simem:s7], [sflag:s8] =	dma.local @!p0 [hbm:s6], $0xF7A  }
0x23: {  	s9 =	sor.u32 $0xD0000000, s2;
	s6 =	simm.s32 $0x108;
	_ =	swait.ge @!p0 [sflag:s8], $0x0  }
0x24: {  	s3 =	sadd.s32 $0x88, s3;
	s6 =	simm.s32 @!p1 $0x1082;
	[sflag:s4] =	ssyncset.s32 $0xFFFFF086  }
0x25: {  	[simem:s6], [sflag:s4] =	dma.local [hbm:s3], $0xF7A  }
0x26: {  	[smem:$0x3F9B] =	sst s1;
	(tag) =	ssettag s2;
	_ =	strace s9  }
0x27: {  	s1 =	sld [smem:$0x3FAB]  }
0x28: {  	s2 =	sld [smem:$0x3FAC]  }
0x29: {  	s4 =	sld [smem:$0x3FAE]  }
0x2a: {  	p0 =	seq.s32 s5, $0x0;
	s5 =	sld [smem:$0x3FAF]  }
0x2b: {  	s6 =	sld [smem:$0x3FB0]  }
0x2c: {  	s7 =	sld [smem:$0x3FB1]  }
0x2d: {  	s3 =	simm.s32 $0x108;
	s8 =	sld [smem:$0x3FB2]  }
0x2e: {  	s3 =	simm.s32 @!p0 $0x1082;
	s9 =	sld [smem:$0x3FB3]  }
0x2f: {  	lr =	sadd.s32 s0, s3;
	s0 =	sld [smem:$0x3FAA]  }
0x30: {  	s3 =	sld [smem:$0x3FAD]  }
0x31: {  	[smem:$0x3FB6] =	sst s10  }
0x32: {  	s10 =	sld [smem:$0x3FB4];
	_ =	sdelay $0x3  }
0x33: {  	p0 =	seq.s32 s10, $0x1;
	s10 =	sld [smem:$0x3FB6];
	_ =	sdelay $0x3  }
0x34: {  	[smem:$0x3FB6] =	sst s10  }
0x35: {  	s10 =	sld [smem:$0x3FB5];
	_ =	sdelay $0x3  }
0x36: {  	p1 =	seq.s32 s10, $0x1;
	s10 =	sld [smem:$0x3FB6];
	_ =	sdelay $0x3  }
0x37: {  	[smem:$0x3FB6] =	sst s10  }
0x38: {  	s10 =	sld [smem:$0x3FB7]  }
0x39: {  	_ = 	snop;
	(pc) =	sbr.ind lr, $3  }
0x3a: {  	_ = 	snop  }
0x3b: {  	_ = 	snop  }
0x3c: {  	p2 =	seq.s32 s10, $0x1;
	s10 =	sld [smem:$0x3FB6]  }
0x3d: {  	_ =	shalt  }
0x3e: {  	_ =	shalt  }
0x3f: {  	_ =	shalt  }
0x40: {  	_ =	shalt  }
0x41: {  	_ =	shalt  }
0x42: {  	_ =	shalt  }
0x43: {  	_ =	shalt  }
0x44: {  	_ =	shalt  }
0x45: {  	_ =	shalt  }
0x46: {  	_ =	shalt  }
0x47: {  	_ =	shalt  }
0x48: {  	_ =	shalt  }
0x49: {  	_ =	shalt  }
0x4a: {  	_ =	shalt  }
0x4b: {  	_ =	shalt  }
0x4c: {  	_ =	shalt  }
0x4d: {  	_ =	shalt  }
0x4e: {  	_ =	shalt  }
0x4f: {  	_ =	shalt  }
0x50: {  	_ =	shalt  }
0x51: {  	_ =	shalt  }
0x52: {  	_ =	shalt  }
0x53: {  	_ =	shalt  }
0x54: {  	_ =	shalt  }
0x55: {  	_ =	shalt  }
0x56: {  	_ =	shalt  }
0x57: {  	_ =	shalt  }
0x58: {  	_ =	shalt  }
0x59: {  	_ =	shalt  }
0x5a: {  	_ =	shalt  }
0x5b: {  	_ =	shalt  }
0x5c: {  	_ =	shalt  }
0x5d: {  	_ =	shalt  }
0x5e: {  	_ =	shalt  }
0x5f: {  	_ =	shalt  }
0x60: {  	_ =	shalt  }
0x61: {  	_ =	shalt  }
0x62: {  	_ =	shalt  }
0x63: {  	_ =	shalt  }
0x64: {  	_ =	shalt  }
0x65: {  	_ =	shalt  }
0x66: {  	_ =	shalt  }
0x67: {  	_ =	shalt  }
0x68: {  	_ =	shalt  }
0x69: {  	_ =	shalt  }
0x6a: {  	_ =	shalt  }
0x6b: {  	_ =	shalt  }
0x6c: {  	_ =	shalt  }
0x6d: {  	_ =	shalt  }
0x6e: {  	_ =	shalt  }
0x6f: {  	_ =	shalt  }
0x70: {  	_ =	shalt  }
0x71: {  	_ =	shalt  }
0x72: {  	_ =	shalt  }
0x73: {  	_ =	shalt  }
0x74: {  	_ =	shalt  }
0x75: {  	_ =	shalt  }
0x76: {  	_ =	shalt  }
0x77: {  	_ =	shalt  }
0x78: {  	_ =	shalt  }
0x79: {  	_ =	shalt  }
0x7a: {  	_ =	shalt  }
0x7b: {  	_ =	shalt  }
0x7c: {  	_ =	shalt  }
0x7d: {  	_ =	shalt  }
0x7e: {  	_ =	shalt  }
0x7f: {  	_ =	shalt  }
0x80: {  	_ =	shalt  }
0x81: {  	_ =	shalt  }
0x82: {  	_ =	shalt  }
0x83: {  	_ =	shalt  }
0x84: {  	_ =	shalt  }
0x85: {  	_ =	shalt  }
0x86: {  	_ =	shalt  }
0x87: {  	_ =	shalt  }
.Lfunc_end0:
.L_simem_size_0:
called_computation_lowered:
.L_overlay_start_0:
0x88: {  	s2 =	sld [smem:$0x3FD9]  }
0x89: {  	s3 =	sld [smem:$0x3FFE];
	_ =	sdelay $0x1  }
0x8a: {  	s1 =	srdreg.scid  }
0x8b: {  	s0 =	sand.u32 $0x1, s1  }
0x8c: {  	s17 =	sshll.u32 s0, $0xA;
	s2 =	sadd.s32 s3, s2  }
0x8d: {  	s2 =	sadd.s32 s2, s17  }
0x8e: {  	[smem:$0x3FC2] =	sst s2  }
0x8f: {  	_ = 	snop  }
0x90: {  	s2 =	sld [smem:$0x3FD0];
	(tm) =	ssettm $0x1  }
0x91: {  	s18 =	sld [smem:$0x3FFB];
	_ =	sdelay $0x3  }
0x92: {  	_ =	strace s18  }
0x93: {  	s3 =	sld [smem:$0x3FFC];
	_ =	sdelay $0x3  }
0x94: {  	_ =	strace s3  }
0x95: {  	s3 =	sld [smem:$0x3FFD];
	_ =	sdelay $0x3  }
0x96: {  	_ =	strace s3  }
0x97: {  	_ =	strace $0x8FFFFFFF  }
0x98: {  	s19 =	sld [smem:$0x3FDB];
	_ =	sdelay $0x1  }
0x99: {  	s4 =	simm.s32 $_scs_section_size  }
0x9a: {  	s5 =	simm.s32 $_size__tile_overlayer_lowered;
	s6 =	simm.s32 $_tile_overlayer_lowered  }
0x9b: {  	s22 =	simm.s32 $0x1BFF;
	s21 =	sshll.u32 s6, $0x1;
	s3 =	sadd.s32 s4, s19  }
0x9c: {  	s7 =	simm.s32 $0x0;
	s20 =	sshll.u32 s5, $0x1;
	s5 =	sadd.s32 s21, s3  }
0x9d: {  	[timem:s7], [sflag:s22] =	dma.local [hbm:s5], s20  }
0x9e: {  	_ =	swait.ge [sflag:s22], s20  }
0x9f: {  	s4 =	ssub.s32 $0x0, s20;
	[sflag:s22] =	ssyncset.done $0x0  }
0xa0: {  	[sflag:s22] =	ssyncadd.s32 s4;
	_ =	sdelay $0x1  }
0xa1: {  	s23 =	simm.s32 $0x1B8B  }
0xa2: {  	_ =	swait.ge [sflag:s23], $0x1  }
0xa3: {  	[sflag:s23] =	ssyncset.done $0x0  }
0xa4: {  	s25 =	simm.s32 $0x1B8E;
	s24 =	sld [smem:$0x3FFE];
	[sflag:s23] =	ssyncadd.s32 $0xFFFFFFFF  }
0xa5: {  	s26 =	simm.s32 $execute0_lowered;
	[smem:$0x3FD2] =	sst s25  }
0xa6: {  	s5 =	sshll.u32 s26, $0x1;
	_ =	strace $0x80000046;
	[dreg:$0x1] =	wrdreg $0xFFFFFFFF  }
0xa7: {  	s28 =	simm.s32 $_size_execute0_lowered;
	s3 =	sadd.s32 s3, s5;
	[dreg:$0x0] =	wrdreg $0x0  }
0xa8: {  	s5 =	sshll.u32 s28, $0x1;
	[dreg:$0x2] =	wrdreg s3  }
0xa9: {  	[dreg:$0x3] =	wrdreg s5  }
0xaa: {  	[dreg:$0x4] =	wrdreg $0xC0  }
0xab: {  	_ =	task [dreg:s7], $0x5FFFF  }
0xac: {  	[dreg:$0x1] =	wrdreg $0xFFFFFFFF  }
0xad: {  	[dreg:$0x0] =	wrdreg $0x60  }
0xae: {  	[dreg:$0x2] =	wrdreg s24  }
0xaf: {  	[dreg:$0x3] =	wrdreg s2  }
0xb0: {  	[dreg:$0x4] =	wrdreg $0x41000  }
0xb1: {  	[dreg:$0x5] =	wrdreg $0x9  }
0xb2: {  	_ =	task.clear_ibuf [dreg:s7], $0x6FFFF;
	_ =	strace $0x90000046  }
0xb3: {  	s29 =	simm.s32 $0x9;
	_ =	strace $0x80000048  }
0xb4: {  	_ =	swait.ge [sflag:s29], $0x1  }
0xb5: {  	[sflag:s29] =	ssyncadd.s32 $0xFFFFFFFF  }
0xb6: {  	_ =	strace $0x90000048  }
0xb7: {  	_ =	sfence  }
0xb8: {  	s30 =	sld [smem:$0x0];
	_ =	sdelay $0x2  }
0xb9: {  	s31 =	sshll.u32 s1, $0xD;
	s1 =	sshrl.u32 s1, $0x2  }
0xba: {  	s3 =	sand.u32 $0x4000, s31;
	s1 =	sadd.s32 s1, s30  }
0xbb: {  	s0 =	sor.u32 s3, s0;
	s1 =	sshll.u32 s1, $0x11  }
0xbc: {  	s0 =	sor.u32 s1, s0  }
0xbd: {  	s0 =	sadd.s32 $0x8F2B, s0  }
0xbe: {  	[sflag:s0] =	ssyncadd.remote.s32 $0x1  }
0xbf: {  	_ =	sfence.sel $0xFFFF  }
0xc0: {  	[dreg:$0x0] =	wrdreg $0xFFFFFFFF;
	(pc) =	sbr.abs _section_cstart, $3  }
0xc1: {  	[dreg:$0x1] =	wrdreg $0xFFFFFFFF  }
0xc2: {  	_ =	task.clear_ibuf [dreg:s7], $0x2FFFF;
	_ =	strace $0x9FFFFFFF  }
0xc3: {  	(tm) =	ssettm $0x7FFFFFFF  }
tec
execute0_lowered:
.L_overlay_start_1:
0x0: {  	(tag) =	ssettag $0x1  }
0x1: {  	s5 =	rddreg [dreg:$0x0]  }
0x2: {  	s13 =	rddreg [dreg:$0x1]  }
0x3: {  	s1 =	rddreg [dreg:$0x2];
	s2 =	srdreg.scid  }
0x4: {  	s0 =	rddreg [dreg:$0x3];
	s3 =	simm.s32 $0x0;
	s6 =	sand.u32 $0x1, s2  }
0x5: {  	s17 =	simm.s32 $0x1;
	s2 =	stileid.u32;
	s7 =	smul.u32 $0x13C000, s6  }
0x6: {  	s20 =	simm.s32 $0x0;
	[smem:$0x7FF] =	sst s3;
	s8 =	smul.u32 $0x13C00, s2  }
0x7: {  	s4 =	sadd.s32 $0xAC00, s5;
	_ =	strace $0x80000047;
	s14 =	smul.u32 $0x4F00, s6  }
0x8: {  	s29 =	smul.u32 $0x4F000, s2;
	s6 =	ssub.s32 $0x2, s6;
	s18 =	sshll.u32 s2, $0x6  }
0x9: {  	s15 =	smul.u32 $0x4F0, s2;
	s30 =	sshrl.u32 s6, $0x1;
	s18 =	sor.u32 $0x1C02, s18  }
0xa: {  	s7 =	sadd.s32 s8, s7;
	s11 =	sadd.s32 s14, s5;
	s31 =	sshrl.u32 s29, $0x2  }
0xb: {  	s12 =	ssub.s32 s6, s30;
	s13 =	sadd.s32 s14, s13;
	s14 =	simm.s32 $0x100  }
0xc: {  	s7 =	sshrl.u32 s7, $0x3;
	s16 =	sadd.s32 s15, s11;
	s11 =	smax.u32 s12, $0x1  }
0xd: {  	s13 =	sadd.s32 s15, s13;
	s15 =	simm.s32 $0x2;
	s10 =	sadd.s32 s7, s5  }
0xe: {  	s5 =	sadd.s32 s31, s1;
	s12 =	sadd.s32 $0xE00, s16;
	s16 =	simm.s32 $0x80  }
0xf: {  	s6 =	sadd.s32 $0x4000, s5;
	s7 =	sadd.s32 $0x8000, s5;
	s8 =	sadd.s32 $0xC000, s5  }
0x10: {  	v0 =	vimm.f32 $0.0e+00;
	s9 =	sadd.s32 $0x10000, s5;
	s10 =	sadd.s32 $0x429800, s10;
	s19 =	sshrl.u32 s5, $0x3  }
.LBB2_1:
0x11: {  	s21 =	sand.u32 $0xFE00, s3  }
0x12: {  	s22 =	sand.u32 $0x70, s3;
	s23 =	sshrl.u32 s21, $0x2  }
0x13: {  	s21 =	simm.s32 $0x40;
	s23 =	sor.u32 s22, s23;
	s22 =	simm.s32 $0x0  }
.LBB2_2:
0x14: {  	p0 =	sne.s32 s21, $0xFFC0  }
0x15: {  	[tilespmem:s23+$0x100] =	vst v0;
	s22 =	sadd.s32 $0x10, s22;
	s23 =	smov.u32 s21;
	s21 =	sadd.s32 $0x40, s21  }
.Ltmp0:
0x16: {  	(pc) =	sbr.rel @p0 .LBB2_2-.Ltmp0, $4  }
0x17: {  	_ = 	snop  }
0x18: {  	s23 =	sand.u32 $0xFE00, s23  }
0x19: {  	s24 =	sand.u32 $0x70, s22;
	s23 =	sshrl.u32 s23, $0x2  }
0x1a: {  	s23 =	sor.u32 s24, s23  }
0x1b: {  	[tilespmem:s23+$0x100] =	vst v0  }
0x1c: {  	[spmem:s5] =	stream.linear.scatter [tilespmem:s14], [sflag:$0x2], $0x4000, $0x38;
	[tilespmem:$0x17D00] =	vst v63  }
0x1d: {  	_ =	swait.ge [sflag:s15], $0x4000  }
0x1e: {  	[sflag:s15] =	ssyncset.done $0x0  }
0x1f: {  	[sflag:s15] =	ssyncadd.s32 $0xFFFFC000  }
0x20: {  	[spmem:s6] =	stream.linear.scatter [tilespmem:s14], [sflag:$0x2], $0x4000, $0x38;
	[tilespmem:$0x17D00] =	vst v63  }
0x21: {  	_ =	swait.ge [sflag:s15], $0x4000  }
0x22: {  	[sflag:s15] =	ssyncset.done $0x0  }
0x23: {  	[sflag:s15] =	ssyncadd.s32 $0xFFFFC000  }
0x24: {  	[spmem:s7] =	stream.linear.scatter [tilespmem:s14], [sflag:$0x2], $0x4000, $0x38;
	[tilespmem:$0x17D00] =	vst v63  }
0x25: {  	_ =	swait.ge [sflag:s15], $0x4000  }
0x26: {  	[sflag:s15] =	ssyncset.done $0x0  }
0x27: {  	[sflag:s15] =	ssyncadd.s32 $0xFFFFC000  }
0x28: {  	[spmem:s8] =	stream.linear.scatter [tilespmem:s14], [sflag:$0x2], $0x4000, $0x38;
	[tilespmem:$0x17D00] =	vst v63  }
0x29: {  	_ =	swait.ge [sflag:s15], $0x4000  }
0x2a: {  	[sflag:s15] =	ssyncset.done $0x0  }
0x2b: {  	[sflag:s15] =	ssyncadd.s32 $0xFFFFC000  }
0x2c: {  	[spmem:s9] =	stream.linear.scatter [tilespmem:s14], [sflag:$0x2], $0x3C00, $0x38;
	[tilespmem:$0x17D00] =	vst v63  }
0x2d: {  	_ =	swait.ge [sflag:s15], $0x3C00  }
0x2e: {  	[sflag:s15] =	ssyncset.done $0x0  }
0x2f: {  	[sflag:s15] =	ssyncadd.s32 $0xFFFFC400  }
0x30: {  	s21 =	sadd.s32 $0x0, s13;
	[bflag:$0x0] =	sbarrier.arrive $0xFFFF  }
0x31: {  	[tilespmem:s3], [sflag:$0x2] =	stream.linear.gather [hbm4b:s21+s3], $0x80, $0x38;
	[tilespmem:$0x17D00] =	vst v63  }
0x32: {  	_ =	swait.ge [sflag:s15], $0x80  }
0x33: {  	[sflag:s15] =	ssyncset.done $0x0  }
0x34: {  	s31 =	sadd.s32 $0x0, s12;
	[sflag:s15] =	ssyncadd.s32 $0xFFFFFF80  }
0x35: {  	[tilespmem:s16], [sflag:$0x2] =	stream.linear.gather [hbm4b:s31+s3], $0x80, $0x38;
	[tilespmem:$0x17D00] =	vst v63  }
0x36: {  	_ =	swait.ge [sflag:s15], $0x80  }
0x37: {  	[sflag:s15] =	ssyncset.done $0x0  }
0x38: {  	[sflag:s15] =	ssyncadd.s32 $0xFFFFFF80  }
0x39: {  	[tilespmem:s14], [sflag:$0x1] =	stream.indirect.gather [hbm4b:s4+s16], $0x80, s3, s16, $0xb8;
	[tilespmem:$0x17D00] =	vst v63  }
0x3a: {  	_ =	swait.ge [sflag:s17], $0x4000  }
0x3b: {  	[sflag:s17] =	ssyncset.done $0x0  }
0x3c: {  	[sflag:s17] =	ssyncadd.s32 $0xFFFFC000  }
0x3d: {  	[spmem:s1] =	stream.indirect.scatter.add.f32 [tilespmem:s14], [sflag:$0x2], $0x80, s16, s16, $0xb8;
	[tilespmem:$0x17D00] =	vst v63  }
0x3e: {  	_ =	swait.ge [sflag:s15], $0x4000  }
0x3f: {  	s22 =	simm.s32 $0x20;
	s21 =	simm.s32 $0x10;
	[sflag:s15] =	ssyncset.done $0x0  }
.LBB2_4:
0x40: {  	s23 =	sadd.s32 s21, s13  }
0x41: {  	[sflag:s15] =	ssyncadd.s32 $0xFFFFC000;
	s24 =	smov.u32 s22;
	s25 =	sadd.s32 $0x10, s22  }
0x42: {  	[tilespmem:s3], [sflag:$0x2] =	stream.linear.gather [hbm4b:s23+s3], $0x80, $0x38;
	[tilespmem:$0x17D00] =	vst v63  }
0x43: {  	p0 =	sne.s32 s22, $0x4E0;
	_ =	swait.ge [sflag:s15], $0x80  }
0x44: {  	[sflag:s15] =	ssyncset.done $0x0  }
0x45: {  	s22 =	sadd.s32 s21, s12;
	s21 =	smov.u32 s24;
	[sflag:s15] =	ssyncadd.s32 $0xFFFFFF80  }
0x46: {  	[tilespmem:s16], [sflag:$0x2] =	stream.linear.gather [hbm4b:s22+s3], $0x80, $0x38;
	[tilespmem:$0x17D00] =	vst v63  }
0x47: {  	_ =	swait.ge [sflag:s15], $0x80  }
0x48: {  	[sflag:s15] =	ssyncset.done $0x0  }
0x49: {  	[sflag:s15] =	ssyncadd.s32 $0xFFFFFF80  }
0x4a: {  	[tilespmem:s14], [sflag:$0x1] =	stream.indirect.gather [hbm4b:s4+s16], $0x80, s3, s16, $0xb8;
	[tilespmem:$0x17D00] =	vst v63  }
0x4b: {  	_ =	swait.ge [sflag:s17], $0x4000  }
.Ltmp1:
0x4c: {  	[sflag:s17] =	ssyncset.done $0x0;
	(pc) =	sbr.rel @p0 .LBB2_4-.Ltmp1, $4  }
0x4d: {  	[sflag:s17] =	ssyncadd.s32 $0xFFFFC000  }
0x4e: {  	[spmem:s1] =	stream.indirect.scatter.add.f32 [tilespmem:s14], [sflag:$0x2], $0x80, s16, s16, $0xb8;
	[tilespmem:$0x17D00] =	vst v63  }
0x4f: {  	_ =	swait.ge [sflag:s15], $0x4000  }
0x50: {  	s22 =	smov.u32 s25;
	[sflag:s15] =	ssyncset.done $0x0  }
0x51: {  	s22 =	sadd.s32 s21, s13;
	[sflag:s15] =	ssyncadd.s32 $0xFFFFC000  }
0x52: {  	[tilespmem:s3], [sflag:$0x2] =	stream.linear.gather [hbm4b:s22+s3], $0x80, $0x38;
	[tilespmem:$0x17D00] =	vst v63  }
0x53: {  	_ =	swait.ge [sflag:s15], $0x80  }
0x54: {  	[sflag:s15] =	ssyncset.done $0x0  }
0x55: {  	s31 =	sadd.s32 s21, s12;
	[sflag:s15] =	ssyncadd.s32 $0xFFFFFF80  }
0x56: {  	[tilespmem:s16], [sflag:$0x2] =	stream.linear.gather [hbm4b:s31+s3], $0x80, $0x38;
	[tilespmem:$0x17D00] =	vst v63  }
0x57: {  	_ =	swait.ge [sflag:s15], $0x80  }
0x58: {  	[sflag:s15] =	ssyncset.done $0x0  }
0x59: {  	[sflag:s15] =	ssyncadd.s32 $0xFFFFFF80  }
0x5a: {  	[tilespmem:s14], [sflag:$0x1] =	stream.indirect.gather [hbm4b:s4+s16], $0x80, s3, s16, $0xb8;
	[tilespmem:$0x17D00] =	vst v63  }
0x5b: {  	_ =	swait.ge [sflag:s17], $0x4000  }
0x5c: {  	[sflag:s17] =	ssyncset.done $0x0  }
0x5d: {  	[sflag:s17] =	ssyncadd.s32 $0xFFFFC000  }
0x5e: {  	[spmem:s1] =	stream.indirect.scatter.add.f32 [tilespmem:s14], [sflag:$0x2], $0x80, s16, s16, $0xb8;
	[tilespmem:$0x17D00] =	vst v63  }
0x5f: {  	_ =	swait.ge [sflag:s15], $0x4000  }
0x60: {  	s20 =	sadd.s32 $0x1, s20;
	[sflag:s15] =	ssyncset.done $0x0  }
0x61: {  	p0 =	sne.s32 s20, s11;
	[sflag:s15] =	ssyncadd.s32 $0xFFFFC000  }
.Ltmp2:
0x62: {  	[bflag:$0x0] =	sbarrier.arrive $0xFFFF;
	(pc) =	sbr.rel @p0 .LBB2_1-.Ltmp2, $4  }
0x63: {  	[hbm:s10], [sflag:s18] =	dma.local [spmem:s19], $0x2780  }
0x64: {  	_ =	swait.ge [sflag:s15], $0x2780  }
0x65: {  	[sflag:s15] =	ssyncset.done $0x0  }
0x66: {  	[sflag:s15] =	ssyncadd.s32 $0xFFFFD880  }
0x67: {  	_ =	sfence.sel $0x180000  }
0x68: {  	[bflag:$0x0] =	sbarrier.arrive $0xFFFF  }
0x69: {  	p0 =	sne.s32 s2, $0x0;
	_ =	strace $0x90000047  }
0x6a: {  	s0 =	sadd.s32 @!p0 $0x100000, s0;
	[bflag:$0x2] =	sbarrier.arrive $0xFFFF  }
0x6b: {  	[sflag:s0] =	ssyncadd.tile.s32 @!p0 $0x1;
	_ =	shalt  }
.Lfunc_end2:
_tile_overlayer_lowered:
.L_overlay_start_2:
0x6c: {  	(tag) =	ssettag $0x2  }
0x6d: {  	s0 =	rddreg [dreg:$0x0];
	s2 =	stileid.u32  }
0x6e: {  	s1 =	rddreg [dreg:$0x1];
	p0 =	sne.s32 s2, $0x0  }
0x6f: {  	s3 =	rddreg [dreg:$0x2];
	[bflag:$0x3] =	sbarrier.arrive $0xFFFF;
	s2 =	simm.s32 @!p0 $0x1C02  }
0x70: {  	[timem:s3], [sflag:s2] =	dma.local @!p0 [hbm:s0], s1  }
0x71: {  	s0 =	simm.s32 @!p0 $0x2  }
0x72: {  	_ =	swait.ge @!p0 [sflag:s0], s1  }
0x73: {  	s1 =	ssub.s32 @!p0 $0x0, s1;
	[sflag:s0] =	ssyncset.done @!p0 $0x0  }
0x74: {  	[sflag:s0] =	ssyncadd.s32 @!p0 s1  }
0x75: {  	[bflag:$0x3] =	sbarrier.arrive $0xFFFF  }
0x76: {  	_ =	shalt  }

</sc_bundles>
